<compile_context>
chip_gen: v7x
topology: tpu7x:2x2x1
jax: 0.10.2.dev20260603
libtpu: 0.0.44.dev20260713+nightly
codegen_flags: <defaults>
</compile_context>

<pallas_src>
import functools

import jax
import jax.numpy as jnp
from jax import lax
from jax.experimental import pallas as pl
from jax.experimental.pallas import tpu as pltpu
from jax.experimental.pallas import tpu_sc as plsc

B = 256
L = 1024
PROJ_DIM = 64
NUM_AA = 20

_TOKENS = B * L

_info = plsc.get_sparse_core_info()
_NC = _info.num_cores
_NS = _info.num_subcores
_NW = _NC * _NS
_ROWS_PER_W = B // _NW
_UNIT = 32768
_NUNIT = _ROWS_PER_W * 2


def _sc_kernel(idx_hbm, w_hbm, b_hbm, out_hbm,
               w_v, b_v, idx_v, buf_a, buf_b, sem_a, sem_b):
    wid = lax.axis_index("s") * _NC + lax.axis_index("c")

    pltpu.sync_copy(w_hbm, w_v)
    pltpu.sync_copy(b_hbm, b_v)
    pltpu.sync_copy(idx_hbm.at[pl.ds(wid * (_ROWS_PER_W * L), _ROWS_PER_W * L)],
                    idx_v)

    bufs = (buf_a, buf_b)
    sems = (sem_a, sem_b)

    def fill(unit, buf):
        b_local = unit >> 1
        h = unit & 1

        def per_p(pp, carry):
            p = h * 32 + pp
            rb_local = pp >> 3
            r = pp & 7
            p_splat = jnp.full((16,), p, jnp.int32)
            bias_vec = plsc.load_gather(b_v, [p_splat])

            def per_cb(cb, c2):
                tok0 = b_local * L + cb * 128
                dst0 = ((rb_local * 8 + cb) * 8 + r) * 128
                for v in range(8):
                    ids = idx_v[pl.ds(tok0 + v * 16, 16)]
                    vals = plsc.load_gather(w_v, [p_splat, ids]) + bias_vec
                    buf[pl.ds(dst0 + v * 16, 16)] = vals
                return c2

            lax.fori_loop(0, 8, per_cb, 0, unroll=False)
            return carry

        lax.fori_loop(0, 32, per_p, 0, unroll=False)

    def out_off(unit):
        return (wid * _ROWS_PER_W + (unit >> 1)) * (2 * _UNIT) \
            + (unit & 1) * _UNIT

    def group(g, carry):
        for parity in range(2):
            unit = g * 2 + parity

            @pl.when(g > 0)
            def _drain():
                pltpu.make_async_copy(
                    bufs[parity], out_hbm.at[pl.ds(0, _UNIT)], sems[parity]
                ).wait()

            fill(unit, bufs[parity])
            pltpu.async_copy(
                bufs[parity], out_hbm.at[pl.ds(out_off(unit), _UNIT)],
                sems[parity],
            )
        return carry

    lax.fori_loop(0, _NUNIT // 2, group, 0, unroll=False)

    for parity in range(2):
        pltpu.make_async_copy(
            bufs[parity], out_hbm.at[pl.ds(0, _UNIT)], sems[parity]
        ).wait()


@jax.jit
def kernel(indices, W, b):
    idx = indices.reshape(_TOKENS).astype(jnp.int32)
    mesh = plsc.VectorSubcoreMesh(core_axis_name="c", subcore_axis_name="s")
    res = pl.kernel(
        _sc_kernel,
        mesh=mesh,
        compiler_params=pltpu.CompilerParams(
            use_tc_tiling_on_sc=False, needs_layout_passes=False
        ),
        out_type=jax.ShapeDtypeStruct((B * PROJ_DIM * L,), jnp.float32),
        scratch_types=[
            pltpu.VMEM((PROJ_DIM, NUM_AA), jnp.float32),
            pltpu.VMEM((PROJ_DIM,), jnp.float32),
            pltpu.VMEM((_ROWS_PER_W * L,), jnp.int32),
            pltpu.VMEM((_UNIT,), jnp.float32),
            pltpu.VMEM((_UNIT,), jnp.float32),
            pltpu.SemaphoreType.DMA,
            pltpu.SemaphoreType.DMA,
        ],
    )(idx, W, b)
    out = (res.reshape(B, 8, 8, 8, 128)
              .transpose(0, 1, 3, 2, 4)
              .reshape(B, PROJ_DIM, L)
              .transpose(0, 2, 1))
    return out

# --- scband reference (transcript-rebuilt; emitter-appended) ---
"""Pipeline reference for scband-one-hot-aaprojector-3143916061384 (READ-ONLY COPY).

The authoritative reference and input builder live on the scoring server;
editing this copy changes nothing except your own understanding.
"""

import jax, jax.numpy as jnp
import numpy as np

B = 256
L = 1024
PROJ_DIM = 64
NUM_AA = 20

def setup_inputs(seed: int = 0) -> dict:
    key = jax.random.key(seed)
    k_idx, k_w, k_b = jax.random.split(key, 3)
    indices = jax.random.randint(k_idx, (B, L), 0, NUM_AA, dtype=jnp.int64 if jax.config.jax_enable_x64 else jnp.int32)
    # nn.Linear(20, proj_dim): weight [proj_dim, 20], bias [proj_dim]
    bound = 1.0 / np.sqrt(NUM_AA)
    W = jax.random.uniform(k_w, (PROJ_DIM, NUM_AA), minval=-bound, maxval=bound, dtype=jnp.float32)
    b = jax.random.uniform(k_b, (PROJ_DIM,), minval=-bound, maxval=bound, dtype=jnp.float32)
    return {"indices": indices, "W": W, "b": b}

def reference(indices, W, b):
    # one-hot [B, L, 20] then Linear: x @ W.T + b  -> [B, L, proj_dim]
    onehot = jax.nn.one_hot(indices, NUM_AA, dtype=jnp.float32)
    out = jnp.einsum('blk,pk->blp', onehot, W) + b
    return out

if __name__ == "__main__":
    import jax
    _d = setup_inputs()
    print(jax.jit(kernel)(*tuple(_d.values())))

</pallas_src>

<mosaic_0001>
#map = affine_map<(d0, d1) -> (0)>
#map1 = affine_map<(d0, d1) -> (0, 0)>
module attributes {stable_mosaic.version = 14 : i64} {
  func.func @_sc_kernel(%arg0: i32, %arg1: i32, %arg2: memref<262144xi32, #tpu.memory_space<hbm>>, %arg3: memref<64x20xf32, #tpu.memory_space<hbm>>, %arg4: memref<64xf32, #tpu.memory_space<hbm>>, %arg5: memref<16777216xf32, #tpu.memory_space<hbm>>, %arg6: memref<64x20xf32, #tpu.memory_space<vmem>>, %arg7: memref<64xf32, #tpu.memory_space<vmem>>, %arg8: memref<8192xi32, #tpu.memory_space<vmem>>, %arg9: memref<32768xf32, #tpu.memory_space<vmem>>, %arg10: memref<32768xf32, #tpu.memory_space<vmem>>, %arg11: memref<!tpu.dma_semaphore, #tpu.memory_space<semaphore_mem>>, %arg12: memref<!tpu.dma_semaphore, #tpu.memory_space<semaphore_mem>>) attributes {dimension_semantics = [#tpu.dimension_semantics<core_parallel>, #tpu.dimension_semantics<subcore_parallel>], iteration_bounds = array<i64: 2, 16>, scalar_prefetch = 0 : i64, scratch_operands = 7 : i64, tpu.core_type = #tpu.core_type<sc_vector_subcore>, window_params = [{transform_indices = #map}, {transform_indices = #map1}, {transform_indices = #map}, {transform_indices = #map}]} {
    %mul3A = arith.constant 2 : i32
    %mul3A_0 = arith.muli %arg1, %mul3A : i32
    %add3A = arith.addi %mul3A_0, %arg0 : i32
    "tpu.region"() ({
      %run_scoped3A = tpu.sem_alloc : memref<!tpu.dma_semaphore, #tpu.memory_space<semaphore_mem>>
      tpu.enqueue_dma source(%arg3 : memref<64x20xf32, #tpu.memory_space<hbm>>) target(%arg6 : memref<64x20xf32, #tpu.memory_space<vmem>>) target_semaphore(%run_scoped3A : memref<!tpu.dma_semaphore, #tpu.memory_space<semaphore_mem>>)
      tpu.wait_dma2 semaphore(%run_scoped3A : memref<!tpu.dma_semaphore, #tpu.memory_space<semaphore_mem>>) src(%arg3 : memref<64x20xf32, #tpu.memory_space<hbm>>) dst(%arg6 : memref<64x20xf32, #tpu.memory_space<vmem>>)
      tpu.yield
    }) : () -> ()
    "tpu.region"() ({
      %run_scoped3A = tpu.sem_alloc : memref<!tpu.dma_semaphore, #tpu.memory_space<semaphore_mem>>
      tpu.enqueue_dma source(%arg4 : memref<64xf32, #tpu.memory_space<hbm>>) target(%arg7 : memref<64xf32, #tpu.memory_space<vmem>>) target_semaphore(%run_scoped3A : memref<!tpu.dma_semaphore, #tpu.memory_space<semaphore_mem>>)
      tpu.wait_dma2 semaphore(%run_scoped3A : memref<!tpu.dma_semaphore, #tpu.memory_space<semaphore_mem>>) src(%arg4 : memref<64xf32, #tpu.memory_space<hbm>>) dst(%arg7 : memref<64xf32, #tpu.memory_space<vmem>>)
      tpu.yield
    }) : () -> ()
    %mul3A_1 = arith.constant 8192 : i32
    %mul3A_2 = arith.muli %add3A, %mul3A_1 : i32
    "tpu.region"() ({
      %run_scoped3A = tpu.sem_alloc : memref<!tpu.dma_semaphore, #tpu.memory_space<semaphore_mem>>
      %dma_start3A = tpu.memref_slice %arg2[%mul3A_2] : memref<262144xi32, #tpu.memory_space<hbm>> -> memref<8192xi32, #tpu.memory_space<hbm>>
      %dma_start3A_15 = tpu.memref_slice %arg2[%mul3A_2] : memref<262144xi32, #tpu.memory_space<hbm>> -> memref<8192xi32, #tpu.memory_space<hbm>>
      tpu.enqueue_dma source(%dma_start3A_15 : memref<8192xi32, #tpu.memory_space<hbm>>) target(%arg8 : memref<8192xi32, #tpu.memory_space<vmem>>) target_semaphore(%run_scoped3A : memref<!tpu.dma_semaphore, #tpu.memory_space<semaphore_mem>>)
      %dma_wait3A_16 = tpu.memref_slice %arg2[%mul3A_2] : memref<262144xi32, #tpu.memory_space<hbm>> -> memref<8192xi32, #tpu.memory_space<hbm>>
      %dma_wait3A_17 = tpu.memref_slice %arg2[%mul3A_2] : memref<262144xi32, #tpu.memory_space<hbm>> -> memref<8192xi32, #tpu.memory_space<hbm>>
      tpu.wait_dma2 semaphore(%run_scoped3A : memref<!tpu.dma_semaphore, #tpu.memory_space<semaphore_mem>>) src(%dma_wait3A_17 : memref<8192xi32, #tpu.memory_space<hbm>>) dst(%arg8 : memref<8192xi32, #tpu.memory_space<vmem>>)
      tpu.yield
    }) : () -> ()
    %scan3A = arith.constant 0 : i32
    %scan3A_3 = arith.constant 0 : i32
    %scan3A_4 = arith.constant 8 : i32
    %scan3A_5 = arith.addi %scan3A_3, %scan3A_4 : i32
    %scan3A_6 = arith.constant 1 : i32
    scf.for %scan3A_15 = %scan3A_3 to %scan3A_5 step %scan3A_6  : i32 {
      %mul3A_16 = arith.constant 2 : i32
      %mul3A_17 = arith.muli %scan3A_15, %mul3A_16 : i32
      %add3A_18 = arith.constant 0 : i32
      %add3A_19 = arith.addi %mul3A_17, %add3A_18 : i32
      %gt3A = arith.constant 0 : i32
      %gt3A_20 = arith.cmpi sgt, %scan3A_15, %gt3A : i32
      %convert_element_type3A = arith.extui %gt3A_20 : i1 to i32
      %cond3A = arith.constant 0 : i32
      %cond3A_21 = arith.cmpi ne, %convert_element_type3A, %cond3A : i32
      scf.if %cond3A_21 {
        %dma_wait3A_76 = arith.constant 0 : i32
        %dma_wait3A_77 = tpu.memref_slice %arg5[%dma_wait3A_76] : memref<16777216xf32, #tpu.memory_space<hbm>> -> memref<32768xf32, #tpu.memory_space<hbm>>
        %dma_wait3A_78 = arith.constant 0 : i32
        %dma_wait3A_79 = tpu.memref_slice %arg5[%dma_wait3A_78] : memref<16777216xf32, #tpu.memory_space<hbm>> -> memref<32768xf32, #tpu.memory_space<hbm>>
        tpu.wait_dma2 semaphore(%arg11 : memref<!tpu.dma_semaphore, #tpu.memory_space<semaphore_mem>>) src(%arg9 : memref<32768xf32, #tpu.memory_space<vmem>>) dst(%dma_wait3A_79 : memref<32768xf32, #tpu.memory_space<hbm>>)
      } else {
      }
      %shift_right_arithmetic3A = arith.constant 1 : i32
      %shift_right_arithmetic3A_22 = arith.shrsi %add3A_19, %shift_right_arithmetic3A : i32
      %and3A = arith.constant 1 : i32
      %and3A_23 = arith.andi %add3A_19, %and3A : i32
      %scan3A_24 = arith.constant 0 : i32
      %scan3A_25 = arith.constant 0 : i32
      %scan3A_26 = arith.constant 32 : i32
      %scan3A_27 = arith.addi %scan3A_25, %scan3A_26 : i32
      %scan3A_28 = arith.constant 1 : i32
      scf.for %scan3A_76 = %scan3A_25 to %scan3A_27 step %scan3A_28  : i32 {
        %mul3A_77 = arith.constant 32 : i32
        %mul3A_78 = arith.muli %and3A_23, %mul3A_77 : i32
        %add3A_79 = arith.addi %mul3A_78, %scan3A_76 : i32
        %shift_right_arithmetic3A_80 = arith.constant 3 : i32
        %shift_right_arithmetic3A_81 = arith.shrsi %scan3A_76, %shift_right_arithmetic3A_80 : i32
        %and3A_82 = arith.constant 7 : i32
        %and3A_83 = arith.andi %scan3A_76, %and3A_82 : i32
        %broadcast_in_dim3A = vector.broadcast %add3A_79 : i32 to vector<16xi32>
        %gather3A = tpu.vector_load_idx %arg7[%broadcast_in_dim3A] : memref<64xf32, #tpu.memory_space<vmem>>[vector<16xi32>], vector<16xf32>,
        %scan3A_84 = arith.constant 0 : i32
        %scan3A_85 = arith.constant 0 : i32
        %scan3A_86 = arith.constant 8 : i32
        %scan3A_87 = arith.addi %scan3A_85, %scan3A_86 : i32
        %scan3A_88 = arith.constant 1 : i32
        scf.for %scan3A_90 = %scan3A_85 to %scan3A_87 step %scan3A_88  : i32 {
          %mul3A_91 = arith.constant 1024 : i32
          %mul3A_92 = arith.muli %shift_right_arithmetic3A_22, %mul3A_91 : i32
          %mul3A_93 = arith.constant 128 : i32
          %mul3A_94 = arith.muli %scan3A_90, %mul3A_93 : i32
          %add3A_95 = arith.addi %mul3A_92, %mul3A_94 : i32
          %mul3A_96 = arith.constant 8 : i32
          %mul3A_97 = arith.muli %shift_right_arithmetic3A_81, %mul3A_96 : i32
          %add3A_98 = arith.addi %mul3A_97, %scan3A_90 : i32
          %mul3A_99 = arith.constant 8 : i32
          %mul3A_100 = arith.muli %add3A_98, %mul3A_99 : i32
          %add3A_101 = arith.addi %mul3A_100, %and3A_83 : i32
          %mul3A_102 = arith.constant 128 : i32
          %mul3A_103 = arith.muli %add3A_101, %mul3A_102 : i32
          %add3A_104 = arith.constant 0 : i32
          %add3A_105 = arith.addi %add3A_95, %add3A_104 : i32
          %get3A = arith.index_cast %add3A_105 : i32 to index
          %get3A_106 = tpu.vector_load %arg8[%get3A] {strides = array<i32>} : memref<8192xi32, #tpu.memory_space<vmem>>, vector<16xi32>,
          %gather3A_107 = tpu.vector_load_idx %arg6[%broadcast_in_dim3A, %get3A_106] : memref<64x20xf32, #tpu.memory_space<vmem>>[vector<16xi32>, vector<16xi32>], vector<16xf32>,
          %add3A_108 = arith.addf %gather3A_107, %gather3A : vector<16xf32>
          %add3A_109 = arith.constant 0 : i32
          %add3A_110 = arith.addi %mul3A_103, %add3A_109 : i32
          %swap3A = arith.index_cast %add3A_110 : i32 to index
          %swap3A_111 = tpu.vector_load %arg9[%swap3A] {strides = array<i32>} : memref<32768xf32, #tpu.memory_space<vmem>>, vector<16xf32>,
          tpu.vector_store %arg9[%swap3A], %add3A_108 {strides = array<i32>} : memref<32768xf32, #tpu.memory_space<vmem>>, vector<16xf32>,
          %add3A_112 = arith.constant 16 : i32
          %add3A_113 = arith.addi %add3A_95, %add3A_112 : i32
          %get3A_114 = arith.index_cast %add3A_113 : i32 to index
          %get3A_115 = tpu.vector_load %arg8[%get3A_114] {strides = array<i32>} : memref<8192xi32, #tpu.memory_space<vmem>>, vector<16xi32>,
          %gather3A_116 = tpu.vector_load_idx %arg6[%broadcast_in_dim3A, %get3A_115] : memref<64x20xf32, #tpu.memory_space<vmem>>[vector<16xi32>, vector<16xi32>], vector<16xf32>,
          %add3A_117 = arith.addf %gather3A_116, %gather3A : vector<16xf32>
          %add3A_118 = arith.constant 16 : i32
          %add3A_119 = arith.addi %mul3A_103, %add3A_118 : i32
          %swap3A_120 = arith.index_cast %add3A_119 : i32 to index
          %swap3A_121 = tpu.vector_load %arg9[%swap3A_120] {strides = array<i32>} : memref<32768xf32, #tpu.memory_space<vmem>>, vector<16xf32>,
          tpu.vector_store %arg9[%swap3A_120], %add3A_117 {strides = array<i32>} : memref<32768xf32, #tpu.memory_space<vmem>>, vector<16xf32>,
          %add3A_122 = arith.constant 32 : i32
          %add3A_123 = arith.addi %add3A_95, %add3A_122 : i32
          %get3A_124 = arith.index_cast %add3A_123 : i32 to index
          %get3A_125 = tpu.vector_load %arg8[%get3A_124] {strides = array<i32>} : memref<8192xi32, #tpu.memory_space<vmem>>, vector<16xi32>,
          %gather3A_126 = tpu.vector_load_idx %arg6[%broadcast_in_dim3A, %get3A_125] : memref<64x20xf32, #tpu.memory_space<vmem>>[vector<16xi32>, vector<16xi32>], vector<16xf32>,
          %add3A_127 = arith.addf %gather3A_126, %gather3A : vector<16xf32>
          %add3A_128 = arith.constant 32 : i32
          %add3A_129 = arith.addi %mul3A_103, %add3A_128 : i32
          %swap3A_130 = arith.index_cast %add3A_129 : i32 to index
          %swap3A_131 = tpu.vector_load %arg9[%swap3A_130] {strides = array<i32>} : memref<32768xf32, #tpu.memory_space<vmem>>, vector<16xf32>,
          tpu.vector_store %arg9[%swap3A_130], %add3A_127 {strides = array<i32>} : memref<32768xf32, #tpu.memory_space<vmem>>, vector<16xf32>,
          %add3A_132 = arith.constant 48 : i32
          %add3A_133 = arith.addi %add3A_95, %add3A_132 : i32
          %get3A_134 = arith.index_cast %add3A_133 : i32 to index
          %get3A_135 = tpu.vector_load %arg8[%get3A_134] {strides = array<i32>} : memref<8192xi32, #tpu.memory_space<vmem>>, vector<16xi32>,
          %gather3A_136 = tpu.vector_load_idx %arg6[%broadcast_in_dim3A, %get3A_135] : memref<64x20xf32, #tpu.memory_space<vmem>>[vector<16xi32>, vector<16xi32>], vector<16xf32>,
          %add3A_137 = arith.addf %gather3A_136, %gather3A : vector<16xf32>
          %add3A_138 = arith.constant 48 : i32
          %add3A_139 = arith.addi %mul3A_103, %add3A_138 : i32
          %swap3A_140 = arith.index_cast %add3A_139 : i32 to index
          %swap3A_141 = tpu.vector_load %arg9[%swap3A_140] {strides = array<i32>} : memref<32768xf32, #tpu.memory_space<vmem>>, vector<16xf32>,
          tpu.vector_store %arg9[%swap3A_140], %add3A_137 {strides = array<i32>} : memref<32768xf32, #tpu.memory_space<vmem>>, vector<16xf32>,
          %add3A_142 = arith.constant 64 : i32
          %add3A_143 = arith.addi %add3A_95, %add3A_142 : i32
          %get3A_144 = arith.index_cast %add3A_143 : i32 to index
          %get3A_145 = tpu.vector_load %arg8[%get3A_144] {strides = array<i32>} : memref<8192xi32, #tpu.memory_space<vmem>>, vector<16xi32>,
          %gather3A_146 = tpu.vector_load_idx %arg6[%broadcast_in_dim3A, %get3A_145] : memref<64x20xf32, #tpu.memory_space<vmem>>[vector<16xi32>, vector<16xi32>], vector<16xf32>,
          %add3A_147 = arith.addf %gather3A_146, %gather3A : vector<16xf32>
          %add3A_148 = arith.constant 64 : i32
          %add3A_149 = arith.addi %mul3A_103, %add3A_148 : i32
          %swap3A_150 = arith.index_cast %add3A_149 : i32 to index
          %swap3A_151 = tpu.vector_load %arg9[%swap3A_150] {strides = array<i32>} : memref<32768xf32, #tpu.memory_space<vmem>>, vector<16xf32>,
          tpu.vector_store %arg9[%swap3A_150], %add3A_147 {strides = array<i32>} : memref<32768xf32, #tpu.memory_space<vmem>>, vector<16xf32>,
          %add3A_152 = arith.constant 80 : i32
          %add3A_153 = arith.addi %add3A_95, %add3A_152 : i32
          %get3A_154 = arith.index_cast %add3A_153 : i32 to index
          %get3A_155 = tpu.vector_load %arg8[%get3A_154] {strides = array<i32>} : memref<8192xi32, #tpu.memory_space<vmem>>, vector<16xi32>,
          %gather3A_156 = tpu.vector_load_idx %arg6[%broadcast_in_dim3A, %get3A_155] : memref<64x20xf32, #tpu.memory_space<vmem>>[vector<16xi32>, vector<16xi32>], vector<16xf32>,
          %add3A_157 = arith.addf %gather3A_156, %gather3A : vector<16xf32>
          %add3A_158 = arith.constant 80 : i32
          %add3A_159 = arith.addi %mul3A_103, %add3A_158 : i32
          %swap3A_160 = arith.index_cast %add3A_159 : i32 to index
          %swap3A_161 = tpu.vector_load %arg9[%swap3A_160] {strides = array<i32>} : memref<32768xf32, #tpu.memory_space<vmem>>, vector<16xf32>,
          tpu.vector_store %arg9[%swap3A_160], %add3A_157 {strides = array<i32>} : memref<32768xf32, #tpu.memory_space<vmem>>, vector<16xf32>,
          %add3A_162 = arith.constant 96 : i32
          %add3A_163 = arith.addi %add3A_95, %add3A_162 : i32
          %get3A_164 = arith.index_cast %add3A_163 : i32 to index
          %get3A_165 = tpu.vector_load %arg8[%get3A_164] {strides = array<i32>} : memref<8192xi32, #tpu.memory_space<vmem>>, vector<16xi32>,
          %gather3A_166 = tpu.vector_load_idx %arg6[%broadcast_in_dim3A, %get3A_165] : memref<64x20xf32, #tpu.memory_space<vmem>>[vector<16xi32>, vector<16xi32>], vector<16xf32>,
          %add3A_167 = arith.addf %gather3A_166, %gather3A : vector<16xf32>
          %add3A_168 = arith.constant 96 : i32
          %add3A_169 = arith.addi %mul3A_103, %add3A_168 : i32
          %swap3A_170 = arith.index_cast %add3A_169 : i32 to index
          %swap3A_171 = tpu.vector_load %arg9[%swap3A_170] {strides = array<i32>} : memref<32768xf32, #tpu.memory_space<vmem>>, vector<16xf32>,
          tpu.vector_store %arg9[%swap3A_170], %add3A_167 {strides = array<i32>} : memref<32768xf32, #tpu.memory_space<vmem>>, vector<16xf32>,
          %add3A_172 = arith.constant 112 : i32
          %add3A_173 = arith.addi %add3A_95, %add3A_172 : i32
          %get3A_174 = arith.index_cast %add3A_173 : i32 to index
          %get3A_175 = tpu.vector_load %arg8[%get3A_174] {strides = array<i32>} : memref<8192xi32, #tpu.memory_space<vmem>>, vector<16xi32>,
          %gather3A_176 = tpu.vector_load_idx %arg6[%broadcast_in_dim3A, %get3A_175] : memref<64x20xf32, #tpu.memory_space<vmem>>[vector<16xi32>, vector<16xi32>], vector<16xf32>,
          %add3A_177 = arith.addf %gather3A_176, %gather3A : vector<16xf32>
          %add3A_178 = arith.constant 112 : i32
          %add3A_179 = arith.addi %mul3A_103, %add3A_178 : i32
          %swap3A_180 = arith.index_cast %add3A_179 : i32 to index
          %swap3A_181 = tpu.vector_load %arg9[%swap3A_180] {strides = array<i32>} : memref<32768xf32, #tpu.memory_space<vmem>>, vector<16xf32>,
          tpu.vector_store %arg9[%swap3A_180], %add3A_177 {strides = array<i32>} : memref<32768xf32, #tpu.memory_space<vmem>>, vector<16xf32>,
        }
        %scan3A_89 = arith.constant 8 : i32
      }
      %scan3A_29 = arith.constant 32 : i32
      %mul3A_30 = arith.constant 8 : i32
      %mul3A_31 = arith.muli %add3A, %mul3A_30 : i32
      %shift_right_arithmetic3A_32 = arith.constant 1 : i32
      %shift_right_arithmetic3A_33 = arith.shrsi %add3A_19, %shift_right_arithmetic3A_32 : i32
      %add3A_34 = arith.addi %mul3A_31, %shift_right_arithmetic3A_33 : i32
      %mul3A_35 = arith.constant 65536 : i32
      %mul3A_36 = arith.muli %add3A_34, %mul3A_35 : i32
      %and3A_37 = arith.constant 1 : i32
      %and3A_38 = arith.andi %add3A_19, %and3A_37 : i32
      %mul3A_39 = arith.constant 32768 : i32
      %mul3A_40 = arith.muli %and3A_38, %mul3A_39 : i32
      %add3A_41 = arith.addi %mul3A_36, %mul3A_40 : i32
      %dma_start3A = tpu.memref_slice %arg5[%add3A_41] : memref<16777216xf32, #tpu.memory_space<hbm>> -> memref<32768xf32, #tpu.memory_space<hbm>>
      %dma_start3A_42 = tpu.memref_slice %arg5[%add3A_41] : memref<16777216xf32, #tpu.memory_space<hbm>> -> memref<32768xf32, #tpu.memory_space<hbm>>
      tpu.enqueue_dma source(%arg9 : memref<32768xf32, #tpu.memory_space<vmem>>) target(%dma_start3A_42 : memref<32768xf32, #tpu.memory_space<hbm>>) target_semaphore(%arg11 : memref<!tpu.dma_semaphore, #tpu.memory_space<semaphore_mem>>)
      %mul3A_43 = arith.constant 2 : i32
      %mul3A_44 = arith.muli %scan3A_15, %mul3A_43 : i32
      %add3A_45 = arith.constant 1 : i32
      %add3A_46 = arith.addi %mul3A_44, %add3A_45 : i32
      %gt3A_47 = arith.constant 0 : i32
      %gt3A_48 = arith.cmpi sgt, %scan3A_15, %gt3A_47 : i32
      %convert_element_type3A_49 = arith.extui %gt3A_48 : i1 to i32
      %cond3A_50 = arith.constant 0 : i32
      %cond3A_51 = arith.cmpi ne, %convert_element_type3A_49, %cond3A_50 : i32
      scf.if %cond3A_51 {
        %dma_wait3A_76 = arith.constant 0 : i32
        %dma_wait3A_77 = tpu.memref_slice %arg5[%dma_wait3A_76] : memref<16777216xf32, #tpu.memory_space<hbm>> -> memref<32768xf32, #tpu.memory_space<hbm>>
        %dma_wait3A_78 = arith.constant 0 : i32
        %dma_wait3A_79 = tpu.memref_slice %arg5[%dma_wait3A_78] : memref<16777216xf32, #tpu.memory_space<hbm>> -> memref<32768xf32, #tpu.memory_space<hbm>>
        tpu.wait_dma2 semaphore(%arg12 : memref<!tpu.dma_semaphore, #tpu.memory_space<semaphore_mem>>) src(%arg10 : memref<32768xf32, #tpu.memory_space<vmem>>) dst(%dma_wait3A_79 : memref<32768xf32, #tpu.memory_space<hbm>>)
      } else {
      }
      %shift_right_arithmetic3A_52 = arith.constant 1 : i32
      %shift_right_arithmetic3A_53 = arith.shrsi %add3A_46, %shift_right_arithmetic3A_52 : i32
      %and3A_54 = arith.constant 1 : i32
      %and3A_55 = arith.andi %add3A_46, %and3A_54 : i32
      %scan3A_56 = arith.constant 0 : i32
      %scan3A_57 = arith.constant 0 : i32
      %scan3A_58 = arith.constant 32 : i32
      %scan3A_59 = arith.addi %scan3A_57, %scan3A_58 : i32
      %scan3A_60 = arith.constant 1 : i32
      scf.for %scan3A_76 = %scan3A_57 to %scan3A_59 step %scan3A_60  : i32 {
        %mul3A_77 = arith.constant 32 : i32
        %mul3A_78 = arith.muli %and3A_55, %mul3A_77 : i32
        %add3A_79 = arith.addi %mul3A_78, %scan3A_76 : i32
        %shift_right_arithmetic3A_80 = arith.constant 3 : i32
        %shift_right_arithmetic3A_81 = arith.shrsi %scan3A_76, %shift_right_arithmetic3A_80 : i32
        %and3A_82 = arith.constant 7 : i32
        %and3A_83 = arith.andi %scan3A_76, %and3A_82 : i32
        %broadcast_in_dim3A = vector.broadcast %add3A_79 : i32 to vector<16xi32>
        %gather3A = tpu.vector_load_idx %arg7[%broadcast_in_dim3A] : memref<64xf32, #tpu.memory_space<vmem>>[vector<16xi32>], vector<16xf32>,
        %scan3A_84 = arith.constant 0 : i32
        %scan3A_85 = arith.constant 0 : i32
        %scan3A_86 = arith.constant 8 : i32
        %scan3A_87 = arith.addi %scan3A_85, %scan3A_86 : i32
        %scan3A_88 = arith.constant 1 : i32
        scf.for %scan3A_90 = %scan3A_85 to %scan3A_87 step %scan3A_88  : i32 {
          %mul3A_91 = arith.constant 1024 : i32
          %mul3A_92 = arith.muli %shift_right_arithmetic3A_53, %mul3A_91 : i32
          %mul3A_93 = arith.constant 128 : i32
          %mul3A_94 = arith.muli %scan3A_90, %mul3A_93 : i32
          %add3A_95 = arith.addi %mul3A_92, %mul3A_94 : i32
          %mul3A_96 = arith.constant 8 : i32
          %mul3A_97 = arith.muli %shift_right_arithmetic3A_81, %mul3A_96 : i32
          %add3A_98 = arith.addi %mul3A_97, %scan3A_90 : i32
          %mul3A_99 = arith.constant 8 : i32
          %mul3A_100 = arith.muli %add3A_98, %mul3A_99 : i32
          %add3A_101 = arith.addi %mul3A_100, %and3A_83 : i32
          %mul3A_102 = arith.constant 128 : i32
          %mul3A_103 = arith.muli %add3A_101, %mul3A_102 : i32
          %add3A_104 = arith.constant 0 : i32
          %add3A_105 = arith.addi %add3A_95, %add3A_104 : i32
          %get3A = arith.index_cast %add3A_105 : i32 to index
          %get3A_106 = tpu.vector_load %arg8[%get3A] {strides = array<i32>} : memref<8192xi32, #tpu.memory_space<vmem>>, vector<16xi32>,
          %gather3A_107 = tpu.vector_load_idx %arg6[%broadcast_in_dim3A, %get3A_106] : memref<64x20xf32, #tpu.memory_space<vmem>>[vector<16xi32>, vector<16xi32>], vector<16xf32>,
          %add3A_108 = arith.addf %gather3A_107, %gather3A : vector<16xf32>
          %add3A_109 = arith.constant 0 : i32
          %add3A_110 = arith.addi %mul3A_103, %add3A_109 : i32
          %swap3A = arith.index_cast %add3A_110 : i32 to index
          %swap3A_111 = tpu.vector_load %arg10[%swap3A] {strides = array<i32>} : memref<32768xf32, #tpu.memory_space<vmem>>, vector<16xf32>,
          tpu.vector_store %arg10[%swap3A], %add3A_108 {strides = array<i32>} : memref<32768xf32, #tpu.memory_space<vmem>>, vector<16xf32>,
          %add3A_112 = arith.constant 16 : i32
          %add3A_113 = arith.addi %add3A_95, %add3A_112 : i32
          %get3A_114 = arith.index_cast %add3A_113 : i32 to index
          %get3A_115 = tpu.vector_load %arg8[%get3A_114] {strides = array<i32>} : memref<8192xi32, #tpu.memory_space<vmem>>, vector<16xi32>,
          %gather3A_116 = tpu.vector_load_idx %arg6[%broadcast_in_dim3A, %get3A_115] : memref<64x20xf32, #tpu.memory_space<vmem>>[vector<16xi32>, vector<16xi32>], vector<16xf32>,
          %add3A_117 = arith.addf %gather3A_116, %gather3A : vector<16xf32>
          %add3A_118 = arith.constant 16 : i32
          %add3A_119 = arith.addi %mul3A_103, %add3A_118 : i32
          %swap3A_120 = arith.index_cast %add3A_119 : i32 to index
          %swap3A_121 = tpu.vector_load %arg10[%swap3A_120] {strides = array<i32>} : memref<32768xf32, #tpu.memory_space<vmem>>, vector<16xf32>,
          tpu.vector_store %arg10[%swap3A_120], %add3A_117 {strides = array<i32>} : memref<32768xf32, #tpu.memory_space<vmem>>, vector<16xf32>,
          %add3A_122 = arith.constant 32 : i32
          %add3A_123 = arith.addi %add3A_95, %add3A_122 : i32
          %get3A_124 = arith.index_cast %add3A_123 : i32 to index
          %get3A_125 = tpu.vector_load %arg8[%get3A_124] {strides = array<i32>} : memref<8192xi32, #tpu.memory_space<vmem>>, vector<16xi32>,
          %gather3A_126 = tpu.vector_load_idx %arg6[%broadcast_in_dim3A, %get3A_125] : memref<64x20xf32, #tpu.memory_space<vmem>>[vector<16xi32>, vector<16xi32>], vector<16xf32>,
          %add3A_127 = arith.addf %gather3A_126, %gather3A : vector<16xf32>
          %add3A_128 = arith.constant 32 : i32
          %add3A_129 = arith.addi %mul3A_103, %add3A_128 : i32
          %swap3A_130 = arith.index_cast %add3A_129 : i32 to index
          %swap3A_131 = tpu.vector_load %arg10[%swap3A_130] {strides = array<i32>} : memref<32768xf32, #tpu.memory_space<vmem>>, vector<16xf32>,
          tpu.vector_store %arg10[%swap3A_130], %add3A_127 {strides = array<i32>} : memref<32768xf32, #tpu.memory_space<vmem>>, vector<16xf32>,
          %add3A_132 = arith.constant 48 : i32
          %add3A_133 = arith.addi %add3A_95, %add3A_132 : i32
          %get3A_134 = arith.index_cast %add3A_133 : i32 to index
          %get3A_135 = tpu.vector_load %arg8[%get3A_134] {strides = array<i32>} : memref<8192xi32, #tpu.memory_space<vmem>>, vector<16xi32>,
          %gather3A_136 = tpu.vector_load_idx %arg6[%broadcast_in_dim3A, %get3A_135] : memref<64x20xf32, #tpu.memory_space<vmem>>[vector<16xi32>, vector<16xi32>], vector<16xf32>,
          %add3A_137 = arith.addf %gather3A_136, %gather3A : vector<16xf32>
          %add3A_138 = arith.constant 48 : i32
          %add3A_139 = arith.addi %mul3A_103, %add3A_138 : i32
          %swap3A_140 = arith.index_cast %add3A_139 : i32 to index
          %swap3A_141 = tpu.vector_load %arg10[%swap3A_140] {strides = array<i32>} : memref<32768xf32, #tpu.memory_space<vmem>>, vector<16xf32>,
          tpu.vector_store %arg10[%swap3A_140], %add3A_137 {strides = array<i32>} : memref<32768xf32, #tpu.memory_space<vmem>>, vector<16xf32>,
          %add3A_142 = arith.constant 64 : i32
          %add3A_143 = arith.addi %add3A_95, %add3A_142 : i32
          %get3A_144 = arith.index_cast %add3A_143 : i32 to index
          %get3A_145 = tpu.vector_load %arg8[%get3A_144] {strides = array<i32>} : memref<8192xi32, #tpu.memory_space<vmem>>, vector<16xi32>,
          %gather3A_146 = tpu.vector_load_idx %arg6[%broadcast_in_dim3A, %get3A_145] : memref<64x20xf32, #tpu.memory_space<vmem>>[vector<16xi32>, vector<16xi32>], vector<16xf32>,
          %add3A_147 = arith.addf %gather3A_146, %gather3A : vector<16xf32>
          %add3A_148 = arith.constant 64 : i32
          %add3A_149 = arith.addi %mul3A_103, %add3A_148 : i32
          %swap3A_150 = arith.index_cast %add3A_149 : i32 to index
          %swap3A_151 = tpu.vector_load %arg10[%swap3A_150] {strides = array<i32>} : memref<32768xf32, #tpu.memory_space<vmem>>, vector<16xf32>,
          tpu.vector_store %arg10[%swap3A_150], %add3A_147 {strides = array<i32>} : memref<32768xf32, #tpu.memory_space<vmem>>, vector<16xf32>,
          %add3A_152 = arith.constant 80 : i32
          %add3A_153 = arith.addi %add3A_95, %add3A_152 : i32
          %get3A_154 = arith.index_cast %add3A_153 : i32 to index
          %get3A_155 = tpu.vector_load %arg8[%get3A_154] {strides = array<i32>} : memref<8192xi32, #tpu.memory_space<vmem>>, vector<16xi32>,
          %gather3A_156 = tpu.vector_load_idx %arg6[%broadcast_in_dim3A, %get3A_155] : memref<64x20xf32, #tpu.memory_space<vmem>>[vector<16xi32>, vector<16xi32>], vector<16xf32>,
          %add3A_157 = arith.addf %gather3A_156, %gather3A : vector<16xf32>
          %add3A_158 = arith.constant 80 : i32
          %add3A_159 = arith.addi %mul3A_103, %add3A_158 : i32
          %swap3A_160 = arith.index_cast %add3A_159 : i32 to index
          %swap3A_161 = tpu.vector_load %arg10[%swap3A_160] {strides = array<i32>} : memref<32768xf32, #tpu.memory_space<vmem>>, vector<16xf32>,
          tpu.vector_store %arg10[%swap3A_160], %add3A_157 {strides = array<i32>} : memref<32768xf32, #tpu.memory_space<vmem>>, vector<16xf32>,
          %add3A_162 = arith.constant 96 : i32
          %add3A_163 = arith.addi %add3A_95, %add3A_162 : i32
          %get3A_164 = arith.index_cast %add3A_163 : i32 to index
          %get3A_165 = tpu.vector_load %arg8[%get3A_164] {strides = array<i32>} : memref<8192xi32, #tpu.memory_space<vmem>>, vector<16xi32>,
          %gather3A_166 = tpu.vector_load_idx %arg6[%broadcast_in_dim3A, %get3A_165] : memref<64x20xf32, #tpu.memory_space<vmem>>[vector<16xi32>, vector<16xi32>], vector<16xf32>,
          %add3A_167 = arith.addf %gather3A_166, %gather3A : vector<16xf32>
          %add3A_168 = arith.constant 96 : i32
          %add3A_169 = arith.addi %mul3A_103, %add3A_168 : i32
          %swap3A_170 = arith.index_cast %add3A_169 : i32 to index
          %swap3A_171 = tpu.vector_load %arg10[%swap3A_170] {strides = array<i32>} : memref<32768xf32, #tpu.memory_space<vmem>>, vector<16xf32>,
          tpu.vector_store %arg10[%swap3A_170], %add3A_167 {strides = array<i32>} : memref<32768xf32, #tpu.memory_space<vmem>>, vector<16xf32>,
          %add3A_172 = arith.constant 112 : i32
          %add3A_173 = arith.addi %add3A_95, %add3A_172 : i32
          %get3A_174 = arith.index_cast %add3A_173 : i32 to index
          %get3A_175 = tpu.vector_load %arg8[%get3A_174] {strides = array<i32>} : memref<8192xi32, #tpu.memory_space<vmem>>, vector<16xi32>,
          %gather3A_176 = tpu.vector_load_idx %arg6[%broadcast_in_dim3A, %get3A_175] : memref<64x20xf32, #tpu.memory_space<vmem>>[vector<16xi32>, vector<16xi32>], vector<16xf32>,
          %add3A_177 = arith.addf %gather3A_176, %gather3A : vector<16xf32>
          %add3A_178 = arith.constant 112 : i32
          %add3A_179 = arith.addi %mul3A_103, %add3A_178 : i32
          %swap3A_180 = arith.index_cast %add3A_179 : i32 to index
          %swap3A_181 = tpu.vector_load %arg10[%swap3A_180] {strides = array<i32>} : memref<32768xf32, #tpu.memory_space<vmem>>, vector<16xf32>,
          tpu.vector_store %arg10[%swap3A_180], %add3A_177 {strides = array<i32>} : memref<32768xf32, #tpu.memory_space<vmem>>, vector<16xf32>,
        }
        %scan3A_89 = arith.constant 8 : i32
      }
      %scan3A_61 = arith.constant 32 : i32
      %mul3A_62 = arith.constant 8 : i32
      %mul3A_63 = arith.muli %add3A, %mul3A_62 : i32
      %shift_right_arithmetic3A_64 = arith.constant 1 : i32
      %shift_right_arithmetic3A_65 = arith.shrsi %add3A_46, %shift_right_arithmetic3A_64 : i32
      %add3A_66 = arith.addi %mul3A_63, %shift_right_arithmetic3A_65 : i32
      %mul3A_67 = arith.constant 65536 : i32
      %mul3A_68 = arith.muli %add3A_66, %mul3A_67 : i32
      %and3A_69 = arith.constant 1 : i32
      %and3A_70 = arith.andi %add3A_46, %and3A_69 : i32
      %mul3A_71 = arith.constant 32768 : i32
      %mul3A_72 = arith.muli %and3A_70, %mul3A_71 : i32
      %add3A_73 = arith.addi %mul3A_68, %mul3A_72 : i32
      %dma_start3A_74 = tpu.memref_slice %arg5[%add3A_73] : memref<16777216xf32, #tpu.memory_space<hbm>> -> memref<32768xf32, #tpu.memory_space<hbm>>
      %dma_start3A_75 = tpu.memref_slice %arg5[%add3A_73] : memref<16777216xf32, #tpu.memory_space<hbm>> -> memref<32768xf32, #tpu.memory_space<hbm>>
      tpu.enqueue_dma source(%arg10 : memref<32768xf32, #tpu.memory_space<vmem>>) target(%dma_start3A_75 : memref<32768xf32, #tpu.memory_space<hbm>>) target_semaphore(%arg12 : memref<!tpu.dma_semaphore, #tpu.memory_space<semaphore_mem>>)
    }
    %scan3A_7 = arith.constant 8 : i32
    %dma_wait3A = arith.constant 0 : i32
    %dma_wait3A_8 = tpu.memref_slice %arg5[%dma_wait3A] : memref<16777216xf32, #tpu.memory_space<hbm>> -> memref<32768xf32, #tpu.memory_space<hbm>>
    %dma_wait3A_9 = arith.constant 0 : i32
    %dma_wait3A_10 = tpu.memref_slice %arg5[%dma_wait3A_9] : memref<16777216xf32, #tpu.memory_space<hbm>> -> memref<32768xf32, #tpu.memory_space<hbm>>
    tpu.wait_dma2 semaphore(%arg11 : memref<!tpu.dma_semaphore, #tpu.memory_space<semaphore_mem>>) src(%arg9 : memref<32768xf32, #tpu.memory_space<vmem>>) dst(%dma_wait3A_10 : memref<32768xf32, #tpu.memory_space<hbm>>)
    %dma_wait3A_11 = arith.constant 0 : i32
    %dma_wait3A_12 = tpu.memref_slice %arg5[%dma_wait3A_11] : memref<16777216xf32, #tpu.memory_space<hbm>> -> memref<32768xf32, #tpu.memory_space<hbm>>
    %dma_wait3A_13 = arith.constant 0 : i32
    %dma_wait3A_14 = tpu.memref_slice %arg5[%dma_wait3A_13] : memref<16777216xf32, #tpu.memory_space<hbm>> -> memref<32768xf32, #tpu.memory_space<hbm>>
    tpu.wait_dma2 semaphore(%arg12 : memref<!tpu.dma_semaphore, #tpu.memory_space<semaphore_mem>>) src(%arg10 : memref<32768xf32, #tpu.memory_space<vmem>>) dst(%dma_wait3A_14 : memref<32768xf32, #tpu.memory_space<hbm>>)
    return
  }
}

</mosaic_0001>

<sc_bundles>
// kernel: kernel.3.cloned.1.call-start
scs
__scs_entry_jumppad:
0x0: {  	(pc) =	sbr.rel $0x88, $3  }
0x1: {  	(tag) =	ssettag $0x0;
	lr =	simm.s32 $0x1  }
0x2: {  	[smem:$0x3F9E] =	sst lr;
	_ =	strace $0xD0000000  }
0x3: {  	_ = 	snop  }
0x4: {  	_ = 	snop  }
0x5: {  	_ = 	snop  }
0x6: {  	_ = 	snop  }
0x7: {  	_ = 	snop  }
__scs_overlays_trampoline_lowered:
0x8: {  	[smem:$0x3FAD] =	sst s0  }
0x9: {  	[smem:$0x3FAE] =	sst s1  }
0xa: {  	[smem:$0x3FAF] =	sst s2  }
0xb: {  	[smem:$0x3FB0] =	sst s3  }
0xc: {  	[smem:$0x3FB1] =	sst s4  }
0xd: {  	[smem:$0x3FB2] =	sst s5  }
0xe: {  	[smem:$0x3FB3] =	sst s6  }
0xf: {  	[smem:$0x3FB4] =	sst s7  }
0x10: {  	[smem:$0x3FB5] =	sst s8  }
0x11: {  	[smem:$0x3FB6] =	sst s9;
	s0 =	simm.s32 @!p0 $0x0  }
0x12: {  	s1 =	sld [smem:$0x3F9C];
	s0 =	simm.s32 @p0 $0x1  }
0x13: {  	[smem:$0x3FB7] =	sst s0;
	s0 =	simm.s32 @!p1 $0x0  }
0x14: {  	s2 =	sld [smem:$0x3F9B];
	s0 =	simm.s32 @p1 $0x1  }
0x15: {  	[smem:$0x3FB8] =	sst s0;
	s0 =	simm.s32 @!p2 $0x0  }
0x16: {  	s3 =	sld [smem:$0x3FDB];
	s0 =	simm.s32 @p2 $0x1  }
0x17: {  	s4 =	simm.s32 $0x1BF5;
	[smem:$0x3FBA] =	sst s0  }
0x18: {  	s0 =	sld [smem:$0x3F9D];
	_ =	swait.ge [sflag:s4], $0x0  }
0x19: {  	s7 =	sld [smem:$0x3F9E]  }
0x1a: {  	s8 =	sadd.s32 $0xFFFFE003, lr  }
0x1b: {  	s9 =	sadd.s32 $0xFFFFFEF7, lr;
	s5 =	simm.s32 $0xFFFFFFFF;
	p2 =	slt.u32 s8, $0xFFFFF086  }
0x1c: {  	p1 =	slt.u32 s9, $0xF7A;
	s5 =	simm.s32 @!p2 $0x0  }
0x1d: {  	s5 =	simm.s32 @p1 $0x1;
	p0 =	seq.s32 s7, s2  }
0x1e: {  	s7 =	smul.u32 @!p0 $0xF7A, s2;
	p2 =	seq.s32 @!p0 s5, $0x0  }
0x1f: {  	s9 =	smul.u32 $0xF7A, s1;
	s8 =	simm.s32 @!p0 $0x1BF5;
	p2 =	por !p2, p0  }
0x20: {  	[sflag:s8] =	ssyncset.s32 @!p0 $0xFFFFF086;
	s6 =	sadd.s32 @!p0 s3, s7;
	s7 =	simm.s32 @!p0 $0x108  }
0x21: {  	s3 =	sadd.s32 s3, s9;
	s6 =	sadd.s32 @!p0 $0x88, s6;
	s7 =	simm.s32 @p2 $0x1082  }
0x22: {  	[simem:s7], [sflag:s8] =	dma.local @!p0 [hbm:s6], $0xF7A  }
0x23: {  	s9 =	sor.u32 $0xD0000000, s2;
	s6 =	simm.s32 $0x108;
	_ =	swait.ge @!p0 [sflag:s8], $0x0  }
0x24: {  	s3 =	sadd.s32 $0x88, s3;
	s6 =	simm.s32 @!p1 $0x1082;
	[sflag:s4] =	ssyncset.s32 $0xFFFFF086  }
0x25: {  	[simem:s6], [sflag:s4] =	dma.local [hbm:s3], $0xF7A  }
0x26: {  	[smem:$0x3F9E] =	sst s1;
	(tag) =	ssettag s2;
	_ =	strace s9  }
0x27: {  	s1 =	sld [smem:$0x3FAE]  }
0x28: {  	s2 =	sld [smem:$0x3FAF]  }
0x29: {  	s4 =	sld [smem:$0x3FB1]  }
0x2a: {  	p0 =	seq.s32 s5, $0x0;
	s5 =	sld [smem:$0x3FB2]  }
0x2b: {  	s6 =	sld [smem:$0x3FB3]  }
0x2c: {  	s7 =	sld [smem:$0x3FB4]  }
0x2d: {  	s3 =	simm.s32 $0x108;
	s8 =	sld [smem:$0x3FB5]  }
0x2e: {  	s3 =	simm.s32 @!p0 $0x1082;
	s9 =	sld [smem:$0x3FB6]  }
0x2f: {  	lr =	sadd.s32 s0, s3;
	s0 =	sld [smem:$0x3FAD]  }
0x30: {  	s3 =	sld [smem:$0x3FB0]  }
0x31: {  	[smem:$0x3FB9] =	sst s10  }
0x32: {  	s10 =	sld [smem:$0x3FB7];
	_ =	sdelay $0x3  }
0x33: {  	p0 =	seq.s32 s10, $0x1;
	s10 =	sld [smem:$0x3FB9];
	_ =	sdelay $0x3  }
0x34: {  	[smem:$0x3FB9] =	sst s10  }
0x35: {  	s10 =	sld [smem:$0x3FB8];
	_ =	sdelay $0x3  }
0x36: {  	p1 =	seq.s32 s10, $0x1;
	s10 =	sld [smem:$0x3FB9];
	_ =	sdelay $0x3  }
0x37: {  	[smem:$0x3FB9] =	sst s10  }
0x38: {  	s10 =	sld [smem:$0x3FBA]  }
0x39: {  	_ = 	snop;
	(pc) =	sbr.ind lr, $3  }
0x3a: {  	_ = 	snop  }
0x3b: {  	_ = 	snop  }
0x3c: {  	p2 =	seq.s32 s10, $0x1;
	s10 =	sld [smem:$0x3FB9]  }
0x3d: {  	_ =	shalt  }
0x3e: {  	_ =	shalt  }
0x3f: {  	_ =	shalt  }
0x40: {  	_ =	shalt  }
0x41: {  	_ =	shalt  }
0x42: {  	_ =	shalt  }
0x43: {  	_ =	shalt  }
0x44: {  	_ =	shalt  }
0x45: {  	_ =	shalt  }
0x46: {  	_ =	shalt  }
0x47: {  	_ =	shalt  }
0x48: {  	_ =	shalt  }
0x49: {  	_ =	shalt  }
0x4a: {  	_ =	shalt  }
0x4b: {  	_ =	shalt  }
0x4c: {  	_ =	shalt  }
0x4d: {  	_ =	shalt  }
0x4e: {  	_ =	shalt  }
0x4f: {  	_ =	shalt  }
0x50: {  	_ =	shalt  }
0x51: {  	_ =	shalt  }
0x52: {  	_ =	shalt  }
0x53: {  	_ =	shalt  }
0x54: {  	_ =	shalt  }
0x55: {  	_ =	shalt  }
0x56: {  	_ =	shalt  }
0x57: {  	_ =	shalt  }
0x58: {  	_ =	shalt  }
0x59: {  	_ =	shalt  }
0x5a: {  	_ =	shalt  }
0x5b: {  	_ =	shalt  }
0x5c: {  	_ =	shalt  }
0x5d: {  	_ =	shalt  }
0x5e: {  	_ =	shalt  }
0x5f: {  	_ =	shalt  }
0x60: {  	_ =	shalt  }
0x61: {  	_ =	shalt  }
0x62: {  	_ =	shalt  }
0x63: {  	_ =	shalt  }
0x64: {  	_ =	shalt  }
0x65: {  	_ =	shalt  }
0x66: {  	_ =	shalt  }
0x67: {  	_ =	shalt  }
0x68: {  	_ =	shalt  }
0x69: {  	_ =	shalt  }
0x6a: {  	_ =	shalt  }
0x6b: {  	_ =	shalt  }
0x6c: {  	_ =	shalt  }
0x6d: {  	_ =	shalt  }
0x6e: {  	_ =	shalt  }
0x6f: {  	_ =	shalt  }
0x70: {  	_ =	shalt  }
0x71: {  	_ =	shalt  }
0x72: {  	_ =	shalt  }
0x73: {  	_ =	shalt  }
0x74: {  	_ =	shalt  }
0x75: {  	_ =	shalt  }
0x76: {  	_ =	shalt  }
0x77: {  	_ =	shalt  }
0x78: {  	_ =	shalt  }
0x79: {  	_ =	shalt  }
0x7a: {  	_ =	shalt  }
0x7b: {  	_ =	shalt  }
0x7c: {  	_ =	shalt  }
0x7d: {  	_ =	shalt  }
0x7e: {  	_ =	shalt  }
0x7f: {  	_ =	shalt  }
0x80: {  	_ =	shalt  }
0x81: {  	_ =	shalt  }
0x82: {  	_ =	shalt  }
0x83: {  	_ =	shalt  }
0x84: {  	_ =	shalt  }
0x85: {  	_ =	shalt  }
0x86: {  	_ =	shalt  }
0x87: {  	_ =	shalt  }
.Lfunc_end0:
.L_simem_size_0:
called_computation_lowered:
.L_overlay_start_0:
0x88: {  	s2 =	sld [smem:$0x3FD9]  }
0x89: {  	s3 =	sld [smem:$0x3FFE];
	_ =	sdelay $0x1  }
0x8a: {  	s1 =	srdreg.scid  }
0x8b: {  	s0 =	sand.u32 $0x1, s1  }
0x8c: {  	s17 =	sshll.u32 s0, $0xA;
	s2 =	sadd.s32 s3, s2  }
0x8d: {  	s2 =	sadd.s32 s2, s17  }
0x8e: {  	[smem:$0x3FC5] =	sst s2  }
0x8f: {  	_ = 	snop  }
0x90: {  	s2 =	sld [smem:$0x3FC7]  }
0x91: {  	s18 =	sld [smem:$0x3FD0];
	(tm) =	ssettm $0x1  }
0x92: {  	s4 =	sld [smem:$0x3FFB];
	_ =	sdelay $0x3  }
0x93: {  	_ =	strace s4  }
0x94: {  	s4 =	sld [smem:$0x3FFC];
	_ =	sdelay $0x3  }
0x95: {  	_ =	strace s4  }
0x96: {  	s4 =	sld [smem:$0x3FFD];
	_ =	sdelay $0x3  }
0x97: {  	_ =	strace s4  }
0x98: {  	_ =	strace $0x8FFFFFFF  }
0x99: {  	s19 =	sld [smem:$0x3FDB];
	_ =	sdelay $0x1  }
0x9a: {  	s5 =	simm.s32 $_scs_section_size  }
0x9b: {  	s6 =	simm.s32 $_size__tile_overlayer_lowered;
	s7 =	simm.s32 $_tile_overlayer_lowered  }
0x9c: {  	s22 =	simm.s32 $0x1BFF;
	s21 =	sshll.u32 s7, $0x1;
	s4 =	sadd.s32 s5, s19  }
0x9d: {  	s8 =	simm.s32 $0x0;
	s20 =	sshll.u32 s6, $0x1;
	s6 =	sadd.s32 s21, s4  }
0x9e: {  	[timem:s8], [sflag:s22] =	dma.local [hbm:s6], s20  }
0x9f: {  	_ =	swait.ge [sflag:s22], s20  }
0xa0: {  	s5 =	ssub.s32 $0x0, s20;
	[sflag:s22] =	ssyncset.done $0x0  }
0xa1: {  	[sflag:s22] =	ssyncadd.s32 s5;
	_ =	sdelay $0x1  }
0xa2: {  	s23 =	simm.s32 $0x1B8B  }
0xa3: {  	_ =	swait.ge [sflag:s23], $0x1  }
0xa4: {  	[sflag:s23] =	ssyncset.done $0x0  }
0xa5: {  	s25 =	simm.s32 $0x1B8E;
	s24 =	sld [smem:$0x3FFE];
	[sflag:s23] =	ssyncadd.s32 $0xFFFFFFFF  }
0xa6: {  	s26 =	simm.s32 $execute0_lowered;
	[smem:$0x3FD2] =	sst s25  }
0xa7: {  	s6 =	sshll.u32 s26, $0x1;
	_ =	strace $0x80000046;
	[dreg:$0x1] =	wrdreg $0xFFFFFFFF  }
0xa8: {  	s28 =	simm.s32 $_size_execute0_lowered;
	s4 =	sadd.s32 s4, s6;
	[dreg:$0x0] =	wrdreg $0x0  }
0xa9: {  	s6 =	sshll.u32 s28, $0x1;
	[dreg:$0x2] =	wrdreg s4  }
0xaa: {  	[dreg:$0x3] =	wrdreg s6  }
0xab: {  	[dreg:$0x4] =	wrdreg $0xC0  }
0xac: {  	_ =	task [dreg:s8], $0x5FFFF  }
0xad: {  	[dreg:$0x1] =	wrdreg $0xFFFFFFFF  }
0xae: {  	[dreg:$0x0] =	wrdreg $0x60  }
0xaf: {  	[dreg:$0x2] =	wrdreg s24  }
0xb0: {  	[dreg:$0x3] =	wrdreg s2  }
0xb1: {  	[dreg:$0x4] =	wrdreg s18  }
0xb2: {  	[dreg:$0x5] =	wrdreg $0x9  }
0xb3: {  	_ =	task.clear_ibuf [dreg:s8], $0x6FFFF;
	_ =	strace $0x90000046  }
0xb4: {  	s29 =	simm.s32 $0x9;
	_ =	strace $0x80000048  }
0xb5: {  	_ =	swait.ge [sflag:s29], $0x1  }
0xb6: {  	[sflag:s29] =	ssyncadd.s32 $0xFFFFFFFF  }
0xb7: {  	_ =	strace $0x90000048  }
0xb8: {  	_ =	sfence  }
0xb9: {  	s30 =	sld [smem:$0x0];
	_ =	sdelay $0x2  }
0xba: {  	s31 =	sshll.u32 s1, $0xD;
	s1 =	sshrl.u32 s1, $0x2  }
0xbb: {  	s3 =	sand.u32 $0x4000, s31;
	s1 =	sadd.s32 s1, s30  }
0xbc: {  	s0 =	sor.u32 s3, s0;
	s1 =	sshll.u32 s1, $0x11  }
0xbd: {  	s0 =	sor.u32 s1, s0  }
0xbe: {  	s0 =	sadd.s32 $0x8F2B, s0  }
0xbf: {  	[sflag:s0] =	ssyncadd.remote.s32 $0x1  }
0xc0: {  	_ =	sfence.sel $0xFFFF  }
0xc1: {  	[dreg:$0x0] =	wrdreg $0xFFFFFFFF;
	(pc) =	sbr.abs _section_cstart, $3  }
0xc2: {  	[dreg:$0x1] =	wrdreg $0xFFFFFFFF  }
0xc3: {  	_ =	task.clear_ibuf [dreg:s8], $0x2FFFF;
	_ =	strace $0x9FFFFFFF  }
0xc4: {  	(tm) =	ssettm $0x7FFFFFFF  }
0xc5: {  	_ =	shalt  }
tec
execute0_lowered:
.L_overlay_start_1:
0x0: {  	(tag) =	ssettag $0x1  }
0x1: {  	s5 =	rddreg [dreg:$0x0]  }
0x2: {  	s2 =	rddreg [dreg:$0x1]  }
0x3: {  	s3 =	rddreg [dreg:$0x2]  }
0x4: {  	s0 =	rddreg [dreg:$0x3]  }
0x5: {  	s6 =	srdreg.scid;
	s1 =	stileid.u32  }
0x6: {  	s4 =	simm.s32 $0x0;
	s10 =	simm.s32 $0x3;
	s11 =	simm.s32 $0x600  }
0x7: {  	s12 =	simm.s32 $0x640;
	s13 =	simm.s32 $0x2640;
	s14 =	simm.s32 $0xA640  }
0x8: {  	s15 =	simm.s32 $0x1;
	s16 =	simm.s32 $0x2;
	s17 =	simm.s32 $0x0  }
0x9: {  	s6 =	sand.u32 $0x1, s6;
	s7 =	sshll.u32 s1, $0x1;
	[smem:$0x7FF] =	sst s4  }
0xa: {  	s7 =	sor.u32 s6, s7;
	s6 =	ssub.s32 $0x2, s6;
	_ =	strace $0x80000047  }
0xb: {  	s8 =	sshll.u32 s7, $0xA;
	s9 =	sshrl.u32 s6, $0x1;
	s7 =	sshll.u32 s7, $0x10  }
0xc: {  	s8 =	sadd.s32 s8, s5;
	s5 =	sadd.s32 $0x400, s5;
	s9 =	ssub.s32 s6, s9  }
0xd: {  	s6 =	sadd.s32 $0x600, s8;
	s8 =	sadd.s32 $0x1000, s3;
	s9 =	smax.u32 s9, $0x1  }
.LBB2_1:
0xe: {  	[tilespmem:s4], [sflag:$0x3] =	stream.linear.gather [hbm4b:s5+s4], $0x600, $0x38;
	[tilespmem:$0x12640] =	vst v63  }
0xf: {  	_ =	swait.ge [sflag:s10], $0x600  }
0x10: {  	[sflag:s10] =	ssyncset.done $0x0  }
0x11: {  	[sflag:s10] =	ssyncadd.s32 $0xFFFFFA00  }
0x12: {  	[tilespmem:s11], [sflag:$0x3] =	stream.linear.gather [hbm4b:s2+s4], $0x40, $0x38;
	[tilespmem:$0x12640] =	vst v63  }
0x13: {  	_ =	swait.ge [sflag:s10], $0x40  }
0x14: {  	[sflag:s10] =	ssyncset.done $0x0  }
0x15: {  	[sflag:s10] =	ssyncadd.s32 $0xFFFFFFC0  }
0x16: {  	[tilespmem:s12], [sflag:$0x3] =	stream.linear.gather [hbm4b:s6+s4], $0x2000, $0x38;
	[tilespmem:$0x12640] =	vst v63  }
0x17: {  	_ =	swait.ge [sflag:s10], $0x2000  }
0x18: {  	[sflag:s10] =	ssyncset.done $0x0  }
0x19: {  	s18 =	simm.s32 $0x680;
	s19 =	simm.s32 $0x0;
	[sflag:s10] =	ssyncadd.s32 $0xFFFFE000  }
.LBB2_2:
0x1a: {  	p0 =	seq.s32 s19, $0x0  }
0x1b: {  	v0 =	vmov s18;
	s20 =	simm.s32 @!p0 $0x1  }
0x1c: {  	_ =	swait.ge @!p0 [sflag:s20], $0x8000  }
0x1d: {  	[sflag:s20] =	ssyncset.done @!p0 $0x0  }
0x1e: {  	s21 =	simm.s32 $0x0;
	[sflag:s20] =	ssyncadd.s32 @!p0 $0xFFFF8000;
	s20 =	simm.s32 $0x0  }
.LBB2_3:
0x1f: {  	v2 =	vmov s21  }
0x20: {  	s22 =	sshll.u32 s21, $0xC;
	s23 =	sand.u32 $0x7, s20  }
0x21: {  	s22 =	sand.u32 $0xFFFF8000, s22;
	s23 =	sshll.u32 s23, $0x9  }
0x22: {  	s22 =	sor.u32 s23, s22  }
0x23: {  	s22 =	sshrl.u32 s22, $0x2  }
0x24: {  	s23 =	simm.s32 $0x0;
	s22 =	sadd.s32 $0x2680, s22;
	v1 =	vld.idx.msk [tilespmem:v2+s11+$0x0], $0xffff;
	v2 =	vmul.u32 $0x18, v2  }
.LBB2_4:
0x25: {  	s24 =	sshra.s32 s23, $0x2  }
0x26: {  	v3 =	vld.idx.msk [tilespmem:v0+s24+$0xFFFFFFC0 ss:$0x1], $0xffff;
	_ =	sdelay $0x4  }
0x27: {  	v4 =	vand.u32 $0xFFFFFFF8, v3  }
0x28: {  	v3 =	vand.u32 $0x7, v3;
	v4 =	vadd.s32 v2, v4  }
0x29: {  	v3 =	vor.u32 v3, v4;
	_ =	sdelay $0x4  }
0x2a: {  	v3 =	vld.idx.msk [tilespmem:v3+s4+$0x0], $0xffff;
	_ =	sdelay $0x4  }
0x2b: {  	v3 =	vadd.f32 v3, v1;
	_ =	sdelay $0x1  }
0x2c: {  	[tilespmem:s22+$0xFFFFFFC0] =	vst v3  }
0x2d: {  	v3 =	vld.idx.msk [tilespmem:v0+s24+$0xFFFFFFD0 ss:$0x1], $0xffff;
	_ =	sdelay $0x4  }
0x2e: {  	v57 =	vand.u32 $0xFFFFFFF8, v3  }
0x2f: {  	v3 =	vand.u32 $0x7, v3;
	v4 =	vadd.s32 v2, v57  }
0x30: {  	v3 =	vor.u32 v3, v4;
	_ =	sdelay $0x4  }
0x31: {  	v3 =	vld.idx.msk [tilespmem:v3+s4+$0x0], $0xffff;
	_ =	sdelay $0x4  }
0x32: {  	v3 =	vadd.f32 v3, v1;
	_ =	sdelay $0x1  }
0x33: {  	[tilespmem:s22+$0xFFFFFFD0] =	vst v3  }
0x34: {  	v3 =	vld.idx.msk [tilespmem:v0+s24+$0xFFFFFFE0 ss:$0x1], $0xffff;
	_ =	sdelay $0x4  }
0x35: {  	v58 =	vand.u32 $0xFFFFFFF8, v3  }
0x36: {  	v3 =	vand.u32 $0x7, v3;
	v4 =	vadd.s32 v2, v58  }
0x37: {  	v3 =	vor.u32 v3, v4;
	_ =	sdelay $0x4  }
0x38: {  	v3 =	vld.idx.msk [tilespmem:v3+s4+$0x0], $0xffff;
	_ =	sdelay $0x4  }
0x39: {  	v3 =	vadd.f32 v3, v1;
	_ =	sdelay $0x1  }
0x3a: {  	[tilespmem:s22+$0xFFFFFFE0] =	vst v3  }
0x3b: {  	v3 =	vld.idx.msk [tilespmem:v0+s24+$0xFFFFFFF0 ss:$0x1], $0xffff;
	_ =	sdelay $0x4  }
0x3c: {  	v59 =	vand.u32 $0xFFFFFFF8, v3  }
0x3d: {  	v3 =	vand.u32 $0x7, v3;
	v4 =	vadd.s32 v2, v59  }
0x3e: {  	v3 =	vor.u32 v3, v4;
	_ =	sdelay $0x4  }
0x3f: {  	v3 =	vld.idx.msk [tilespmem:v3+s4+$0x0], $0xffff;
	_ =	sdelay $0x4  }
0x40: {  	v3 =	vadd.f32 v3, v1;
	_ =	sdelay $0x1  }
0x41: {  	[tilespmem:s22+$0xFFFFFFF0] =	vst v3  }
0x42: {  	v3 =	vld.idx.msk [tilespmem:v0+s24+$0x0 ss:$0x1], $0xffff;
	_ =	sdelay $0x4  }
0x43: {  	v60 =	vand.u32 $0xFFFFFFF8, v3  }
0x44: {  	v3 =	vand.u32 $0x7, v3;
	v4 =	vadd.s32 v2, v60  }
0x45: {  	v3 =	vor.u32 v3, v4;
	_ =	sdelay $0x4  }
0x46: {  	v3 =	vld.idx.msk [tilespmem:v3+s4+$0x0], $0xffff;
	_ =	sdelay $0x4  }
0x47: {  	v3 =	vadd.f32 v3, v1;
	_ =	sdelay $0x1  }
0x48: {  	[tilespmem:s22+$0x0] =	vst v3  }
0x49: {  	v3 =	vld.idx.msk [tilespmem:v0+s24+$0x10 ss:$0x1], $0xffff;
	_ =	sdelay $0x4  }
0x4a: {  	v61 =	vand.u32 $0xFFFFFFF8, v3  }
0x4b: {  	v3 =	vand.u32 $0x7, v3;
	v4 =	vadd.s32 v2, v61  }
0x4c: {  	v3 =	vor.u32 v3, v4;
	_ =	sdelay $0x4  }
0x4d: {  	v3 =	vld.idx.msk [tilespmem:v3+s4+$0x0], $0xffff;
	_ =	sdelay $0x4  }
0x4e: {  	v3 =	vadd.f32 v3, v1;
	_ =	sdelay $0x1  }
0x4f: {  	[tilespmem:s22+$0x10] =	vst v3  }
0x50: {  	v3 =	vld.idx.msk [tilespmem:v0+s24+$0x20 ss:$0x1], $0xffff;
	_ =	sdelay $0x4  }
0x51: {  	v62 =	vand.u32 $0xFFFFFFF8, v3  }
0x52: {  	v3 =	vand.u32 $0x7, v3;
	v4 =	vadd.s32 v2, v62  }
0x53: {  	v3 =	vor.u32 v3, v4;
	_ =	sdelay $0x4  }
0x54: {  	v3 =	vld.idx.msk [tilespmem:v3+s4+$0x0], $0xffff;
	_ =	sdelay $0x4  }
0x55: {  	v3 =	vadd.f32 v3, v1;
	_ =	sdelay $0x1  }
0x56: {  	[tilespmem:s22+$0x20] =	vst v3  }
0x57: {  	v3 =	vld.idx.msk [tilespmem:v0+s24+$0x30 ss:$0x1], $0xffff;
	_ =	sdelay $0x4  }
0x58: {  	v63 =	vand.u32 $0xFFFFFFF8, v3  }
0x59: {  	v3 =	vand.u32 $0x7, v3;
	v4 =	vadd.s32 v2, v63  }
0x5a: {  	v3 =	vor.u32 v3, v4;
	_ =	sdelay $0x4  }
0x5b: {  	v3 =	vld.idx.msk [tilespmem:v3+s4+$0x0], $0xffff;
	_ =	sdelay $0x1  }
0x5c: {  	p1 =	sne.s32 s23, $0xE00  }
.Ltmp0:
0x5d: {  	_ = 	snop;
	(pc) =	sbr.rel @p1 .LBB2_4-.Ltmp0, $3  }
0x5e: {  	_ = 	snop  }
0x5f: {  	v3 =	vadd.f32 v3, v1;
	_ =	sdelay $0x1  }
0x60: {  	s23 =	sadd.s32 $0x200, s23;
	[tilespmem:s22+$0x30] =	vst v3;
	s22 =	sadd.s32 $0x400, s22  }
0x61: {  	s21 =	sadd.s32 $0x1, s21  }
0x62: {  	p1 =	sne.s32 s21, $0x20  }
.Ltmp1:
0x63: {  	_ = 	snop;
	(pc) =	sbr.rel @p1 .LBB2_3-.Ltmp1, $2  }
0x64: {  	_ =	sdelay $0x2  }
0x65: {  	s20 =	sadd.s32 $0x1, s20  }
0x66: {  	s20 =	sshll.u32 s19, $0xD  }
0x67: {  	s20 =	sadd.s32 s7, s20  }
0x68: {  	s21 =	sadd.s32 s3, s20  }
0x69: {  	[hbm4b:s21+s4] =	stream.linear.scatter [tilespmem:s13], [sflag:$0x1], $0x8000, $0x38;
	[tilespmem:$0x12640] =	vst v63  }
0x6a: {  	s21 =	simm.s32 @!p0 $0x2  }
0x6b: {  	_ =	swait.ge @!p0 [sflag:s21], $0x8000  }
0x6c: {  	[sflag:s21] =	ssyncset.done @!p0 $0x0  }
0x6d: {  	s22 =	simm.s32 $0x0;
	[sflag:s21] =	ssyncadd.s32 @!p0 $0xFFFF8000;
	s21 =	simm.s32 $0x0  }
.LBB2_7:
0x6e: {  	s23 =	sor.u32 $0x20, s22  }
0x6f: {  	v2 =	vmov s23  }
0x70: {  	s31 =	sshll.u32 s22, $0xC;
	s24 =	sand.u32 $0x7, s21  }
0x71: {  	s23 =	sand.u32 $0xFFFF8000, s31;
	s24 =	sshll.u32 s24, $0x9  }
0x72: {  	s23 =	sor.u32 s24, s23  }
0x73: {  	s23 =	sshrl.u32 s23, $0x2  }
0x74: {  	s24 =	simm.s32 $0x0;
	s23 =	sadd.s32 $0xA680, s23;
	v1 =	vld.idx.msk [tilespmem:v2+s11+$0x0], $0xffff;
	v2 =	vmul.u32 $0x18, v2  }
.LBB2_8:
0x75: {  	s25 =	sshra.s32 s24, $0x2  }
0x76: {  	v3 =	vld.idx.msk [tilespmem:v0+s25+$0xFFFFFFC0 ss:$0x1], $0xffff;
	_ =	sdelay $0x4  }
0x77: {  	v4 =	vand.u32 $0xFFFFFFF8, v3  }
0x78: {  	v3 =	vand.u32 $0x7, v3;
	v4 =	vadd.s32 v2, v4  }
0x79: {  	v3 =	vor.u32 v3, v4;
	_ =	sdelay $0x4  }
0x7a: {  	v3 =	vld.idx.msk [tilespmem:v3+s4+$0x0], $0xffff;
	_ =	sdelay $0x4  }
0x7b: {  	v3 =	vadd.f32 v3, v1;
	_ =	sdelay $0x1  }
0x7c: {  	[tilespmem:s23+$0xFFFFFFC0] =	vst v3  }
0x7d: {  	v3 =	vld.idx.msk [tilespmem:v0+s25+$0xFFFFFFD0 ss:$0x1], $0xffff;
	_ =	sdelay $0x4  }
0x7e: {  	v57 =	vand.u32 $0xFFFFFFF8, v3  }
0x7f: {  	v3 =	vand.u32 $0x7, v3;
	v4 =	vadd.s32 v2, v57  }
0x80: {  	v3 =	vor.u32 v3, v4;
	_ =	sdelay $0x4  }
0x81: {  	v3 =	vld.idx.msk [tilespmem:v3+s4+$0x0], $0xffff;
	_ =	sdelay $0x4  }
0x82: {  	v3 =	vadd.f32 v3, v1;
	_ =	sdelay $0x1  }
0x83: {  	[tilespmem:s23+$0xFFFFFFD0] =	vst v3  }
0x84: {  	v3 =	vld.idx.msk [tilespmem:v0+s25+$0xFFFFFFE0 ss:$0x1], $0xffff;
	_ =	sdelay $0x4  }
0x85: {  	v58 =	vand.u32 $0xFFFFFFF8, v3  }
0x86: {  	v3 =	vand.u32 $0x7, v3;
	v4 =	vadd.s32 v2, v58  }
0x87: {  	v3 =	vor.u32 v3, v4;
	_ =	sdelay $0x4  }
0x88: {  	v3 =	vld.idx.msk [tilespmem:v3+s4+$0x0], $0xffff;
	_ =	sdelay $0x4  }
0x89: {  	v3 =	vadd.f32 v3, v1;
	_ =	sdelay $0x1  }
0x8a: {  	[tilespmem:s23+$0xFFFFFFE0] =	vst v3  }
0x8b: {  	v3 =	vld.idx.msk [tilespmem:v0+s25+$0xFFFFFFF0 ss:$0x1], $0xffff;
	_ =	sdelay $0x4  }
0x8c: {  	v59 =	vand.u32 $0xFFFFFFF8, v3  }
0x8d: {  	v3 =	vand.u32 $0x7, v3;
	v4 =	vadd.s32 v2, v59  }
0x8e: {  	v3 =	vor.u32 v3, v4;
	_ =	sdelay $0x4  }
0x8f: {  	v3 =	vld.idx.msk [tilespmem:v3+s4+$0x0], $0xffff;
	_ =	sdelay $0x4  }
0x90: {  	v3 =	vadd.f32 v3, v1;
	_ =	sdelay $0x1  }
0x91: {  	[tilespmem:s23+$0xFFFFFFF0] =	vst v3  }
0x92: {  	v3 =	vld.idx.msk [tilespmem:v0+s25+$0x0 ss:$0x1], $0xffff;
	_ =	sdelay $0x4  }
0x93: {  	v60 =	vand.u32 $0xFFFFFFF8, v3  }
0x94: {  	v3 =	vand.u32 $0x7, v3;
	v4 =	vadd.s32 v2, v60  }
0x95: {  	v3 =	vor.u32 v3, v4;
	_ =	sdelay $0x4  }
0x96: {  	v3 =	vld.idx.msk [tilespmem:v3+s4+$0x0], $0xffff;
	_ =	sdelay $0x4  }
0x97: {  	v3 =	vadd.f32 v3, v1;
	_ =	sdelay $0x1  }
0x98: {  	[tilespmem:s23+$0x0] =	vst v3  }
0x99: {  	v3 =	vld.idx.msk [tilespmem:v0+s25+$0x10 ss:$0x1], $0xffff;
	_ =	sdelay $0x4  }
0x9a: {  	v61 =	vand.u32 $0xFFFFFFF8, v3  }
0x9b: {  	v3 =	vand.u32 $0x7, v3;
	v4 =	vadd.s32 v2, v61  }
0x9c: {  	v3 =	vor.u32 v3, v4;
	_ =	sdelay $0x4  }
0x9d: {  	v3 =	vld.idx.msk [tilespmem:v3+s4+$0x0], $0xffff;
	_ =	sdelay $0x4  }
0x9e: {  	v3 =	vadd.f32 v3, v1;
	_ =	sdelay $0x1  }
0x9f: {  	[tilespmem:s23+$0x10] =	vst v3  }
0xa0: {  	v3 =	vld.idx.msk [tilespmem:v0+s25+$0x20 ss:$0x1], $0xffff;
	_ =	sdelay $0x4  }
0xa1: {  	v62 =	vand.u32 $0xFFFFFFF8, v3  }
0xa2: {  	v3 =	vand.u32 $0x7, v3;
	v4 =	vadd.s32 v2, v62  }
0xa3: {  	v3 =	vor.u32 v3, v4;
	_ =	sdelay $0x4  }
0xa4: {  	v3 =	vld.idx.msk [tilespmem:v3+s4+$0x0], $0xffff;
	_ =	sdelay $0x4  }
0xa5: {  	v3 =	vadd.f32 v3, v1;
	_ =	sdelay $0x1  }
0xa6: {  	[tilespmem:s23+$0x20] =	vst v3  }
0xa7: {  	v3 =	vld.idx.msk [tilespmem:v0+s25+$0x30 ss:$0x1], $0xffff;
	_ =	sdelay $0x4  }
0xa8: {  	v63 =	vand.u32 $0xFFFFFFF8, v3  }
0xa9: {  	v3 =	vand.u32 $0x7, v3;
	v4 =	vadd.s32 v2, v63  }
0xaa: {  	v3 =	vor.u32 v3, v4;
	_ =	sdelay $0x4  }
0xab: {  	v3 =	vld.idx.msk [tilespmem:v3+s4+$0x0], $0xffff;
	_ =	sdelay $0x1  }
0xac: {  	p0 =	sne.s32 s24, $0xE00  }
.Ltmp2:
0xad: {  	_ = 	snop;
	(pc) =	sbr.rel @p0 .LBB2_8-.Ltmp2, $3  }
0xae: {  	_ = 	snop  }
0xaf: {  	v3 =	vadd.f32 v3, v1;
	_ =	sdelay $0x1  }
0xb0: {  	s24 =	sadd.s32 $0x200, s24;
	[tilespmem:s23+$0x30] =	vst v3;
	s23 =	sadd.s32 $0x400, s23  }
0xb1: {  	s22 =	sadd.s32 $0x1, s22  }
0xb2: {  	p0 =	sne.s32 s22, $0x20  }
.Ltmp3:
0xb3: {  	_ = 	snop;
	(pc) =	sbr.rel @p0 .LBB2_7-.Ltmp3, $2  }
0xb4: {  	_ =	sdelay $0x2  }
0xb5: {  	s21 =	sadd.s32 $0x1, s21  }
0xb6: {  	s19 =	sadd.s32 $0x1, s19  }
0xb7: {  	p0 =	sne.s32 s19, $0x8  }
.Ltmp4:
0xb8: {  	_ = 	snop;
	(pc) =	sbr.rel @p0 .LBB2_2-.Ltmp4, $3  }
0xb9: {  	_ =	sdelay $0x1  }
0xba: {  	s20 =	sadd.s32 s20, s8;
	s18 =	sadd.s32 $0x400, s18  }
0xbb: {  	[hbm4b:s20+s4] =	stream.linear.scatter [tilespmem:s14], [sflag:$0x2], $0x8000, $0x38;
	[tilespmem:$0x12640] =	vst v63  }
0xbc: {  	s17 =	sadd.s32 $0x1, s17  }
0xbd: {  	_ =	swait.ge [sflag:s15], $0x8000;
	p0 =	sne.s32 s17, s9  }
.Ltmp5:
0xbe: {  	[sflag:s15] =	ssyncset.done $0x0;
	(pc) =	sbr.rel @p0 .LBB2_1-.Ltmp5, $4  }
0xbf: {  	[sflag:s15] =	ssyncadd.s32 $0xFFFF8000  }
0xc0: {  	_ =	swait.ge [sflag:s16], $0x8000  }
0xc1: {  	[sflag:s16] =	ssyncset.done $0x0  }
0xc2: {  	[sflag:s16] =	ssyncadd.s32 $0xFFFF8000  }
0xc3: {  	_ =	sfence.sel $0x180000  }
0xc4: {  	[bflag:$0x0] =	sbarrier.arrive $0xFFFF  }
0xc5: {  	p0 =	sne.s32 s1, $0x0;
	_ =	strace $0x90000047  }
0xc6: {  	s0 =	sadd.s32 @!p0 $0x100000, s0;
	[bflag:$0x2] =	sbarrier.arrive $0xFFFF  }
0xc7: {  	[sflag:s0] =	ssyncadd.tile.s32 @!p0 $0x1;
	_ =	shalt  }
.Lfunc_end2:
_tile_overlayer_lowered:
.L_overlay_start_2:
0xc8: {  	(tag) =	ssettag $0x2  }
0xc9: {  	s0 =	rddreg [dreg:$0x0];
	s2 =	stileid.u32  }
0xca: {  	s1 =	rddreg [dreg:$0x1];
	p0 =	sne.s32 s2, $0x0  }
0xcb: {  	s3 =	rddreg [dreg:$0x2];
	[bflag:$0x3] =	sbarrier.arrive $0xFFFF;
	s2 =	simm.s32 @!p0 $0x1C03  }
0xcc: {  	[timem:s3], [sflag:s2] =	dma.local @!p0 [hbm:s0], s1  }
0xcd: {  	s0 =	simm.s32 @!p0 $0x3  }
0xce: {  	_ =	swait.ge @!p0 [sflag:s0], s1  }
0xcf: {  	s1 =	ssub.s32 @!p0 $0x0, s1;
	[sflag:s0] =	ssyncset.done @!p0 $0x0  }
0xd0: {  	[sflag:s0] =	ssyncadd.s32 @!p0 s1  }
0xd1: {  	[bflag:$0x3] =	sbarrier.arrive $0xFFFF  }
0xd2: {  	_ =	shalt  }

</sc_bundles>
